<compile_context>
chip_gen: v7x
topology: tpu7x:2x2x1
jax: 0.10.2.dev20260603
libtpu: 0.0.44.dev20260713+nightly
codegen_flags: <defaults>
</compile_context>

<pallas_src>
import jax
import jax.numpy as jnp
from jax import lax
from jax.experimental import pallas as pl
from jax.experimental.pallas import tpu as pltpu
from jax.experimental.pallas import tpu_sc as plsc

NUM_EXPERTS = 8
D_MODEL = 2048
TOKENS = 32768
TOK_BLK = 2048
NUM_CORES = 2
NUM_SUBCORES = 16
LANES = 16
NW = NUM_CORES * NUM_SUBCORES
TPW = TOKENS // NW


def _gate_matmul_body(w_ref, x_ref, out_ref):
    out_ref[...] = lax.dot_general(
        w_ref[...], x_ref[...],
        dimension_numbers=(((1,), (1,)), ((), ())),
        preferred_element_type=jnp.float32,
    )


def _routing_body(logits_hbm, w_hbm, idx_hbm, lg_v, w_v, idx_v):
    wid = lax.axis_index("s") * NUM_CORES + lax.axis_index("c")
    base = wid * TPW
    pltpu.sync_copy(logits_hbm.at[:, pl.ds(base, TPW)], lg_v)

    def step(i, carry):
        off = pl.multiple_of(i * LANES, LANES)
        vs = [lg_v[e, pl.ds(off, LANES)] for e in range(NUM_EXPERTS)]
        m = vs[0]
        idx = jnp.zeros((LANES,), jnp.int32)
        for e in range(1, NUM_EXPERTS):
            gt = vs[e] > m
            m = jnp.where(gt, vs[e], m)
            idx = jnp.where(gt, jnp.full((LANES,), e, jnp.int32), idx)
        ssum = jnp.zeros((LANES,), jnp.float32)
        for e in range(NUM_EXPERTS):
            ssum = ssum + jnp.exp(vs[e] - m)
        w_v[pl.ds(off, LANES)] = 1.0 / ssum
        idx_v[pl.ds(off, LANES)] = idx
        return carry

    lax.fori_loop(0, TPW // LANES, step, 0)
    pltpu.sync_copy(w_v, w_hbm.at[pl.ds(base, TPW)])
    pltpu.sync_copy(idx_v, idx_hbm.at[pl.ds(base, TPW)])


def kernel(x, W):
    x = x.astype(jnp.float32)
    W = W.astype(jnp.float32)

    logits_t = pl.pallas_call(
        _gate_matmul_body,
        grid=(TOKENS // TOK_BLK,),
        in_specs=[
            pl.BlockSpec((NUM_EXPERTS, D_MODEL), lambda i: (0, 0)),
            pl.BlockSpec((TOK_BLK, D_MODEL), lambda i: (i, 0)),
        ],
        out_specs=pl.BlockSpec((NUM_EXPERTS, TOK_BLK), lambda i: (0, i)),
        out_shape=jax.ShapeDtypeStruct((NUM_EXPERTS, TOKENS), jnp.float32),
    )(W, x)

    weights, indices = pl.kernel(
        _routing_body,
        out_type=[
            jax.ShapeDtypeStruct((TOKENS,), jnp.float32),
            jax.ShapeDtypeStruct((TOKENS,), jnp.int32),
        ],
        mesh=plsc.VectorSubcoreMesh(core_axis_name="c", subcore_axis_name="s"),
        scratch_types=[
            pltpu.VMEM((NUM_EXPERTS, TPW), jnp.float32),
            pltpu.VMEM((TPW,), jnp.float32),
            pltpu.VMEM((TPW,), jnp.int32),
        ],
    )(logits_t)

    return (weights.reshape(TOKENS, 1).astype(x.dtype),
            indices.reshape(TOKENS, 1))

# --- scband reference (transcript-rebuilt; emitter-appended) ---
"""Pipeline reference for scband-router-64501818851344 (READ-ONLY COPY).

The authoritative reference and input builder live on the scoring server;
editing this copy changes nothing except your own understanding.
"""

import jax, jax.numpy as jnp
import numpy as np

NUM_EXPERTS = 8
TOP_K = 1
D_MODEL = 2048
TOKENS = 32768  # batch=4 * seq_len=8192


def setup_inputs(seed: int = 0) -> dict:
    key = jax.random.key(seed)
    kx, kw = jax.random.split(key)
    x = jax.random.normal(kx, (TOKENS, D_MODEL), dtype=jnp.float32)
    # router weight: nn.Parameter(torch.randn(num_experts, hidden_size))
    W = jax.random.normal(kw, (NUM_EXPERTS, D_MODEL), dtype=jnp.float32)
    return {"x": x, "W": W}


def reference(x, W):
    # gating: F.linear(x.float(), W.float()) -> [T, E]
    logits = jnp.dot(x.astype(jnp.float32), W.astype(jnp.float32).T)
    # routing: softmax over experts in fp32, then top-k
    routing_weights = jax.nn.softmax(logits.astype(jnp.float32), axis=-1)
    topk_weights, topk_indices = jax.lax.top_k(routing_weights, TOP_K)
    return topk_weights.astype(x.dtype), topk_indices

if __name__ == "__main__":
    import jax
    _d = setup_inputs()
    print(jax.jit(kernel)(*tuple(_d.values())))

</pallas_src>

<mosaic_0001>
#map = affine_map<(d0, d1) -> (0, 0)>
#map1 = affine_map<(d0, d1) -> (0)>
module attributes {stable_mosaic.version = 14 : i64} {
  func.func @_routing_body(%arg0: i32, %arg1: i32, %arg2: memref<8x32768xf32, #tpu.memory_space<hbm>>, %arg3: memref<32768xf32, #tpu.memory_space<hbm>>, %arg4: memref<32768xi32, #tpu.memory_space<hbm>>, %arg5: memref<8x1024xf32, #tpu.memory_space<vmem>>, %arg6: memref<1024xf32, #tpu.memory_space<vmem>>, %arg7: memref<1024xi32, #tpu.memory_space<vmem>>) attributes {dimension_semantics = [#tpu.dimension_semantics<core_parallel>, #tpu.dimension_semantics<subcore_parallel>], iteration_bounds = array<i64: 2, 16>, scalar_prefetch = 0 : i64, scratch_operands = 3 : i64, tpu.core_type = #tpu.core_type<sc_vector_subcore>, window_params = [{transform_indices = #map}, {transform_indices = #map1}, {transform_indices = #map1}]} {
    %mul3A = arith.constant 2 : i32
    %mul3A_0 = arith.muli %arg1, %mul3A : i32
    %add3A = arith.addi %mul3A_0, %arg0 : i32
    %mul3A_1 = arith.constant 1024 : i32
    %mul3A_2 = arith.muli %add3A, %mul3A_1 : i32
    "tpu.region"() ({
      %run_scoped3A = tpu.sem_alloc : memref<!tpu.dma_semaphore, #tpu.memory_space<semaphore_mem>>
      %dma_start3A = arith.constant 0 : i32
      %dma_start3A_8 = tpu.memref_slice %arg2[%dma_start3A, %mul3A_2] : memref<8x32768xf32, #tpu.memory_space<hbm>> -> memref<8x1024xf32, #tpu.memory_space<hbm>>
      %dma_start3A_9 = arith.constant 0 : i32
      %dma_start3A_10 = tpu.memref_slice %arg2[%dma_start3A_9, %mul3A_2] : memref<8x32768xf32, #tpu.memory_space<hbm>> -> memref<8x1024xf32, #tpu.memory_space<hbm>>
      tpu.enqueue_dma source(%dma_start3A_10 : memref<8x1024xf32, #tpu.memory_space<hbm>>) target(%arg5 : memref<8x1024xf32, #tpu.memory_space<vmem>>) target_semaphore(%run_scoped3A : memref<!tpu.dma_semaphore, #tpu.memory_space<semaphore_mem>>)
      %dma_wait3A = arith.constant 0 : i32
      %dma_wait3A_11 = tpu.memref_slice %arg2[%dma_wait3A, %mul3A_2] : memref<8x32768xf32, #tpu.memory_space<hbm>> -> memref<8x1024xf32, #tpu.memory_space<hbm>>
      %dma_wait3A_12 = arith.constant 0 : i32
      %dma_wait3A_13 = tpu.memref_slice %arg2[%dma_wait3A_12, %mul3A_2] : memref<8x32768xf32, #tpu.memory_space<hbm>> -> memref<8x1024xf32, #tpu.memory_space<hbm>>
      tpu.wait_dma2 semaphore(%run_scoped3A : memref<!tpu.dma_semaphore, #tpu.memory_space<semaphore_mem>>) src(%dma_wait3A_13 : memref<8x1024xf32, #tpu.memory_space<hbm>>) dst(%arg5 : memref<8x1024xf32, #tpu.memory_space<vmem>>)
      tpu.yield
    }) : () -> ()
    %scan3A = arith.constant 0 : i32
    %scan3A_3 = arith.constant 0 : i32
    %scan3A_4 = arith.constant 64 : i32
    %scan3A_5 = arith.addi %scan3A_3, %scan3A_4 : i32
    %scan3A_6 = arith.constant 1 : i32
    scf.for %scan3A_8 = %scan3A_3 to %scan3A_5 step %scan3A_6  : i32 {
      %mul3A_9 = arith.constant 16 : i32
      %mul3A_10 = arith.muli %scan3A_8, %mul3A_9 : i32
      %multiple_of3A = tpu.assume_multiple %mul3A_10, 16 : i32
      %get3A = arith.constant 0 : i32
      %get3A_11 = arith.index_cast %get3A : i32 to index
      %get3A_12 = arith.index_cast %multiple_of3A : i32 to index
      %get3A_13 = tpu.vector_load %arg5[%get3A_11, %get3A_12] {strides = array<i32>} : memref<8x1024xf32, #tpu.memory_space<vmem>>, vector<1x16xf32>,
      %get3A_14 = vector.shape_cast %get3A_13 : vector<1x16xf32> to vector<16xf32>
      %get3A_15 = arith.constant 1 : i32
      %get3A_16 = arith.index_cast %get3A_15 : i32 to index
      %get3A_17 = arith.index_cast %multiple_of3A : i32 to index
      %get3A_18 = tpu.vector_load %arg5[%get3A_16, %get3A_17] {strides = array<i32>} : memref<8x1024xf32, #tpu.memory_space<vmem>>, vector<1x16xf32>,
      %get3A_19 = vector.shape_cast %get3A_18 : vector<1x16xf32> to vector<16xf32>
      %get3A_20 = arith.constant 2 : i32
      %get3A_21 = arith.index_cast %get3A_20 : i32 to index
      %get3A_22 = arith.index_cast %multiple_of3A : i32 to index
      %get3A_23 = tpu.vector_load %arg5[%get3A_21, %get3A_22] {strides = array<i32>} : memref<8x1024xf32, #tpu.memory_space<vmem>>, vector<1x16xf32>,
      %get3A_24 = vector.shape_cast %get3A_23 : vector<1x16xf32> to vector<16xf32>
      %get3A_25 = arith.constant 3 : i32
      %get3A_26 = arith.index_cast %get3A_25 : i32 to index
      %get3A_27 = arith.index_cast %multiple_of3A : i32 to index
      %get3A_28 = tpu.vector_load %arg5[%get3A_26, %get3A_27] {strides = array<i32>} : memref<8x1024xf32, #tpu.memory_space<vmem>>, vector<1x16xf32>,
      %get3A_29 = vector.shape_cast %get3A_28 : vector<1x16xf32> to vector<16xf32>
      %get3A_30 = arith.constant 4 : i32
      %get3A_31 = arith.index_cast %get3A_30 : i32 to index
      %get3A_32 = arith.index_cast %multiple_of3A : i32 to index
      %get3A_33 = tpu.vector_load %arg5[%get3A_31, %get3A_32] {strides = array<i32>} : memref<8x1024xf32, #tpu.memory_space<vmem>>, vector<1x16xf32>,
      %get3A_34 = vector.shape_cast %get3A_33 : vector<1x16xf32> to vector<16xf32>
      %get3A_35 = arith.constant 5 : i32
      %get3A_36 = arith.index_cast %get3A_35 : i32 to index
      %get3A_37 = arith.index_cast %multiple_of3A : i32 to index
      %get3A_38 = tpu.vector_load %arg5[%get3A_36, %get3A_37] {strides = array<i32>} : memref<8x1024xf32, #tpu.memory_space<vmem>>, vector<1x16xf32>,
      %get3A_39 = vector.shape_cast %get3A_38 : vector<1x16xf32> to vector<16xf32>
      %get3A_40 = arith.constant 6 : i32
      %get3A_41 = arith.index_cast %get3A_40 : i32 to index
      %get3A_42 = arith.index_cast %multiple_of3A : i32 to index
      %get3A_43 = tpu.vector_load %arg5[%get3A_41, %get3A_42] {strides = array<i32>} : memref<8x1024xf32, #tpu.memory_space<vmem>>, vector<1x16xf32>,
      %get3A_44 = vector.shape_cast %get3A_43 : vector<1x16xf32> to vector<16xf32>
      %get3A_45 = arith.constant 7 : i32
      %get3A_46 = arith.index_cast %get3A_45 : i32 to index
      %get3A_47 = arith.index_cast %multiple_of3A : i32 to index
      %get3A_48 = tpu.vector_load %arg5[%get3A_46, %get3A_47] {strides = array<i32>} : memref<8x1024xf32, #tpu.memory_space<vmem>>, vector<1x16xf32>,
      %get3A_49 = vector.shape_cast %get3A_48 : vector<1x16xf32> to vector<16xf32>
      %broadcast_in_dim3A = arith.constant 0 : i32
      %broadcast_in_dim3A_50 = vector.broadcast %broadcast_in_dim3A : i32 to vector<16xi32>
      %gt3A = arith.cmpf ogt, %get3A_19, %get3A_14 : vector<16xf32>
      %select_n3A = arith.select %gt3A, %get3A_19, %get3A_14 : vector<16xi1>, vector<16xf32>
      %broadcast_in_dim3A_51 = arith.constant 1 : i32
      %broadcast_in_dim3A_52 = vector.broadcast %broadcast_in_dim3A_51 : i32 to vector<16xi32>
      %select_n3A_53 = arith.select %gt3A, %broadcast_in_dim3A_52, %broadcast_in_dim3A_50 : vector<16xi1>, vector<16xi32>
      %gt3A_54 = arith.cmpf ogt, %get3A_24, %select_n3A : vector<16xf32>
      %select_n3A_55 = arith.select %gt3A_54, %get3A_24, %select_n3A : vector<16xi1>, vector<16xf32>
      %broadcast_in_dim3A_56 = arith.constant 2 : i32
      %broadcast_in_dim3A_57 = vector.broadcast %broadcast_in_dim3A_56 : i32 to vector<16xi32>
      %select_n3A_58 = arith.select %gt3A_54, %broadcast_in_dim3A_57, %select_n3A_53 : vector<16xi1>, vector<16xi32>
      %gt3A_59 = arith.cmpf ogt, %get3A_29, %select_n3A_55 : vector<16xf32>
      %select_n3A_60 = arith.select %gt3A_59, %get3A_29, %select_n3A_55 : vector<16xi1>, vector<16xf32>
      %broadcast_in_dim3A_61 = arith.constant 3 : i32
      %broadcast_in_dim3A_62 = vector.broadcast %broadcast_in_dim3A_61 : i32 to vector<16xi32>
      %select_n3A_63 = arith.select %gt3A_59, %broadcast_in_dim3A_62, %select_n3A_58 : vector<16xi1>, vector<16xi32>
      %gt3A_64 = arith.cmpf ogt, %get3A_34, %select_n3A_60 : vector<16xf32>
      %select_n3A_65 = arith.select %gt3A_64, %get3A_34, %select_n3A_60 : vector<16xi1>, vector<16xf32>
      %broadcast_in_dim3A_66 = arith.constant 4 : i32
      %broadcast_in_dim3A_67 = vector.broadcast %broadcast_in_dim3A_66 : i32 to vector<16xi32>
      %select_n3A_68 = arith.select %gt3A_64, %broadcast_in_dim3A_67, %select_n3A_63 : vector<16xi1>, vector<16xi32>
      %gt3A_69 = arith.cmpf ogt, %get3A_39, %select_n3A_65 : vector<16xf32>
      %select_n3A_70 = arith.select %gt3A_69, %get3A_39, %select_n3A_65 : vector<16xi1>, vector<16xf32>
      %broadcast_in_dim3A_71 = arith.constant 5 : i32
      %broadcast_in_dim3A_72 = vector.broadcast %broadcast_in_dim3A_71 : i32 to vector<16xi32>
      %select_n3A_73 = arith.select %gt3A_69, %broadcast_in_dim3A_72, %select_n3A_68 : vector<16xi1>, vector<16xi32>
      %gt3A_74 = arith.cmpf ogt, %get3A_44, %select_n3A_70 : vector<16xf32>
      %select_n3A_75 = arith.select %gt3A_74, %get3A_44, %select_n3A_70 : vector<16xi1>, vector<16xf32>
      %broadcast_in_dim3A_76 = arith.constant 6 : i32
      %broadcast_in_dim3A_77 = vector.broadcast %broadcast_in_dim3A_76 : i32 to vector<16xi32>
      %select_n3A_78 = arith.select %gt3A_74, %broadcast_in_dim3A_77, %select_n3A_73 : vector<16xi1>, vector<16xi32>
      %gt3A_79 = arith.cmpf ogt, %get3A_49, %select_n3A_75 : vector<16xf32>
      %select_n3A_80 = arith.select %gt3A_79, %get3A_49, %select_n3A_75 : vector<16xi1>, vector<16xf32>
      %broadcast_in_dim3A_81 = arith.constant 7 : i32
      %broadcast_in_dim3A_82 = vector.broadcast %broadcast_in_dim3A_81 : i32 to vector<16xi32>
      %select_n3A_83 = arith.select %gt3A_79, %broadcast_in_dim3A_82, %select_n3A_78 : vector<16xi1>, vector<16xi32>
      %broadcast_in_dim3A_84 = arith.constant 0.000000e+00 : f32
      %broadcast_in_dim3A_85 = vector.broadcast %broadcast_in_dim3A_84 : f32 to vector<16xf32>
      %sub3A = arith.subf %get3A_14, %select_n3A_80 : vector<16xf32>
      %exp3A = math.exp %sub3A : vector<16xf32>
      %add3A_86 = arith.addf %broadcast_in_dim3A_85, %exp3A : vector<16xf32>
      %sub3A_87 = arith.subf %get3A_19, %select_n3A_80 : vector<16xf32>
      %exp3A_88 = math.exp %sub3A_87 : vector<16xf32>
      %add3A_89 = arith.addf %add3A_86, %exp3A_88 : vector<16xf32>
      %sub3A_90 = arith.subf %get3A_24, %select_n3A_80 : vector<16xf32>
      %exp3A_91 = math.exp %sub3A_90 : vector<16xf32>
      %add3A_92 = arith.addf %add3A_89, %exp3A_91 : vector<16xf32>
      %sub3A_93 = arith.subf %get3A_29, %select_n3A_80 : vector<16xf32>
      %exp3A_94 = math.exp %sub3A_93 : vector<16xf32>
      %add3A_95 = arith.addf %add3A_92, %exp3A_94 : vector<16xf32>
      %sub3A_96 = arith.subf %get3A_34, %select_n3A_80 : vector<16xf32>
      %exp3A_97 = math.exp %sub3A_96 : vector<16xf32>
      %add3A_98 = arith.addf %add3A_95, %exp3A_97 : vector<16xf32>
      %sub3A_99 = arith.subf %get3A_39, %select_n3A_80 : vector<16xf32>
      %exp3A_100 = math.exp %sub3A_99 : vector<16xf32>
      %add3A_101 = arith.addf %add3A_98, %exp3A_100 : vector<16xf32>
      %sub3A_102 = arith.subf %get3A_44, %select_n3A_80 : vector<16xf32>
      %exp3A_103 = math.exp %sub3A_102 : vector<16xf32>
      %add3A_104 = arith.addf %add3A_101, %exp3A_103 : vector<16xf32>
      %sub3A_105 = arith.subf %get3A_49, %select_n3A_80 : vector<16xf32>
      %exp3A_106 = math.exp %sub3A_105 : vector<16xf32>
      %add3A_107 = arith.addf %add3A_104, %exp3A_106 : vector<16xf32>
      %div3A = arith.constant 1.000000e+00 : f32
      %div3A_108 = vector.broadcast %div3A : f32 to vector<16xf32>
      %div3A_109 = arith.divf %div3A_108, %add3A_107 : vector<16xf32>
      %swap3A = arith.index_cast %multiple_of3A : i32 to index
      %swap3A_110 = tpu.vector_load %arg6[%swap3A] {strides = array<i32>} : memref<1024xf32, #tpu.memory_space<vmem>>, vector<16xf32>,
      %swap3A_111 = vector.shape_cast %swap3A_110 : vector<16xf32> to vector<16xf32>
      %swap3A_112 = vector.shape_cast %div3A_109 : vector<16xf32> to vector<16xf32>
      tpu.vector_store %arg6[%swap3A], %swap3A_112 {strides = array<i32>} : memref<1024xf32, #tpu.memory_space<vmem>>, vector<16xf32>,
      %swap3A_113 = arith.index_cast %multiple_of3A : i32 to index
      %swap3A_114 = tpu.vector_load %arg7[%swap3A_113] {strides = array<i32>} : memref<1024xi32, #tpu.memory_space<vmem>>, vector<16xi32>,
      %swap3A_115 = vector.shape_cast %swap3A_114 : vector<16xi32> to vector<16xi32>
      %swap3A_116 = vector.shape_cast %select_n3A_83 : vector<16xi32> to vector<16xi32>
      tpu.vector_store %arg7[%swap3A_113], %swap3A_116 {strides = array<i32>} : memref<1024xi32, #tpu.memory_space<vmem>>, vector<16xi32>,
    }
    %scan3A_7 = arith.constant 64 : i32
    "tpu.region"() ({
      %run_scoped3A = tpu.sem_alloc : memref<!tpu.dma_semaphore, #tpu.memory_space<semaphore_mem>>
      %dma_start3A = tpu.memref_slice %arg3[%mul3A_2] : memref<32768xf32, #tpu.memory_space<hbm>> -> memref<1024xf32, #tpu.memory_space<hbm>>
      %dma_start3A_8 = tpu.memref_slice %arg3[%mul3A_2] : memref<32768xf32, #tpu.memory_space<hbm>> -> memref<1024xf32, #tpu.memory_space<hbm>>
      tpu.enqueue_dma source(%arg6 : memref<1024xf32, #tpu.memory_space<vmem>>) target(%dma_start3A_8 : memref<1024xf32, #tpu.memory_space<hbm>>) target_semaphore(%run_scoped3A : memref<!tpu.dma_semaphore, #tpu.memory_space<semaphore_mem>>)
      %dma_wait3A = tpu.memref_slice %arg3[%mul3A_2] : memref<32768xf32, #tpu.memory_space<hbm>> -> memref<1024xf32, #tpu.memory_space<hbm>>
      %dma_wait3A_9 = tpu.memref_slice %arg3[%mul3A_2] : memref<32768xf32, #tpu.memory_space<hbm>> -> memref<1024xf32, #tpu.memory_space<hbm>>
      tpu.wait_dma2 semaphore(%run_scoped3A : memref<!tpu.dma_semaphore, #tpu.memory_space<semaphore_mem>>) src(%arg6 : memref<1024xf32, #tpu.memory_space<vmem>>) dst(%dma_wait3A_9 : memref<1024xf32, #tpu.memory_space<hbm>>)
      tpu.yield
    }) : () -> ()
    "tpu.region"() ({
      %run_scoped3A = tpu.sem_alloc : memref<!tpu.dma_semaphore, #tpu.memory_space<semaphore_mem>>
      %dma_start3A = tpu.memref_slice %arg4[%mul3A_2] : memref<32768xi32, #tpu.memory_space<hbm>> -> memref<1024xi32, #tpu.memory_space<hbm>>
      %dma_start3A_8 = tpu.memref_slice %arg4[%mul3A_2] : memref<32768xi32, #tpu.memory_space<hbm>> -> memref<1024xi32, #tpu.memory_space<hbm>>
      tpu.enqueue_dma source(%arg7 : memref<1024xi32, #tpu.memory_space<vmem>>) target(%dma_start3A_8 : memref<1024xi32, #tpu.memory_space<hbm>>) target_semaphore(%run_scoped3A : memref<!tpu.dma_semaphore, #tpu.memory_space<semaphore_mem>>)
      %dma_wait3A = tpu.memref_slice %arg4[%mul3A_2] : memref<32768xi32, #tpu.memory_space<hbm>> -> memref<1024xi32, #tpu.memory_space<hbm>>
      %dma_wait3A_9 = tpu.memref_slice %arg4[%mul3A_2] : memref<32768xi32, #tpu.memory_space<hbm>> -> memref<1024xi32, #tpu.memory_space<hbm>>
      tpu.wait_dma2 semaphore(%run_scoped3A : memref<!tpu.dma_semaphore, #tpu.memory_space<semaphore_mem>>) src(%arg7 : memref<1024xi32, #tpu.memory_space<vmem>>) dst(%dma_wait3A_9 : memref<1024xi32, #tpu.memory_space<hbm>>)
      tpu.yield
    }) : () -> ()
    return
  }
}

module attributes {stable_mosaic.version = 14 : i64} {
  func.func @_gate_matmul_body(%arg0: i32, %arg1: memref<8x2048xf32, #tpu.memory_space<vmem>>, %arg2: memref<2048x2048xf32, #tpu.memory_space<vmem>>, %arg3: memref<8x2048xf32, #tpu.memory_space<vmem>>) attributes {dimension_semantics = [#tpu.dimension_semantics<arbitrary>], iteration_bounds = array<i64: 16>, scalar_prefetch = 0 : i64, scratch_operands = 0 : i64, tpu.core_type = #tpu.core_type<tc>, window_params = [{pipeline_mode = #tpu.pipeline_mode<synchronous>, transform_indices = @transform_0, window_bounds = array<i64: 8, 2048>}, {transform_indices = @transform_1, window_bounds = array<i64: 2048, 2048>}, {transform_indices = @transform_2, window_bounds = array<i64: 8, 2048>}]} {
    %get3A = arith.constant 0 : index
    %get3A_0 = arith.constant 0 : index
    %get3A_1 = vector.load %arg1[%get3A, %get3A_0] : memref<8x2048xf32, #tpu.memory_space<vmem>>, vector<8x2048xf32>
    %get3A_2 = arith.constant 0 : index
    %get3A_3 = arith.constant 0 : index
    %get3A_4 = vector.load %arg2[%get3A_2, %get3A_3] : memref<2048x2048xf32, #tpu.memory_space<vmem>>, vector<2048x2048xf32>
    %dot_general3A = arith.constant dense<0.000000e+00> : vector<8x2048xf32>
    %dot_general3A_5 = tpu.matmul %get3A_1, %get3A_4, %dot_general3A {dimension_numbers = #tpu.dot_dimension_numbers<[1], [1], [0], [0], [0, 0, 1, 0], [], []>, transpose_lhs_hint = false} : vector<8x2048xf32>, vector<2048x2048xf32>, vector<8x2048xf32> -> vector<8x2048xf32>
    %swap3A = arith.constant 0 : index
    %swap3A_6 = arith.constant 0 : index
    %swap3A_7 = vector.load %arg3[%swap3A, %swap3A_6] : memref<8x2048xf32, #tpu.memory_space<vmem>>, vector<8x2048xf32>
    tpu.vector_store %arg3[%swap3A, %swap3A_6], %dot_general3A_5 {strides = array<i32>} : memref<8x2048xf32, #tpu.memory_space<vmem>>, vector<8x2048xf32>,
    return
  }
  func.func @transform_0(%arg0: i32) -> (i32, i32) {
    %c0_i32 = arith.constant 0 : i32
    %c0_i32_0 = arith.constant 0 : i32
    %c0_i32_1 = arith.constant 0 : i32
    return %c0_i32, %c0_i32_0 : i32, i32
  }
  func.func @transform_1(%arg0: i32) -> (i32, i32) {
    %c0_i32 = arith.constant 0 : i32
    %c0_i32_0 = arith.constant 0 : i32
    return %arg0, %c0_i32 : i32, i32
  }
  func.func @transform_2(%arg0: i32) -> (i32, i32) {
    %c0_i32 = arith.constant 0 : i32
    %c0_i32_0 = arith.constant 0 : i32
    return %c0_i32, %arg0 : i32, i32
  }
}

</mosaic_0001>

<sc_bundles>
// kernel: kernel.4.cloned.1.call-start
scs
__scs_entry_jumppad:
0x0: {  	(pc) =	sbr.rel $0x88, $3  }
0x1: {  	(tag) =	ssettag $0x0;
	lr =	simm.s32 $0x1  }
0x2: {  	[smem:$0x3F9F] =	sst lr;
	_ =	strace $0xD0000000  }
0x3: {  	_ = 	snop  }
0x4: {  	_ = 	snop  }
0x5: {  	_ = 	snop  }
0x6: {  	_ = 	snop  }
0x7: {  	_ = 	snop  }
__scs_overlays_trampoline_lowered:
0x8: {  	[smem:$0x3FAE] =	sst s0  }
0x9: {  	[smem:$0x3FAF] =	sst s1  }
0xa: {  	[smem:$0x3FB0] =	sst s2  }
0xb: {  	[smem:$0x3FB1] =	sst s3  }
0xc: {  	[smem:$0x3FB2] =	sst s4  }
0xd: {  	[smem:$0x3FB3] =	sst s5  }
0xe: {  	[smem:$0x3FB4] =	sst s6  }
0xf: {  	[smem:$0x3FB5] =	sst s7  }
0x10: {  	[smem:$0x3FB6] =	sst s8  }
0x11: {  	[smem:$0x3FB7] =	sst s9;
	s0 =	simm.s32 @!p0 $0x0  }
0x12: {  	s1 =	sld [smem:$0x3F9D];
	s0 =	simm.s32 @p0 $0x1  }
0x13: {  	[smem:$0x3FB8] =	sst s0;
	s0 =	simm.s32 @!p1 $0x0  }
0x14: {  	s2 =	sld [smem:$0x3F9C];
	s0 =	simm.s32 @p1 $0x1  }
0x15: {  	[smem:$0x3FB9] =	sst s0;
	s0 =	simm.s32 @!p2 $0x0  }
0x16: {  	s3 =	sld [smem:$0x3FDB];
	s0 =	simm.s32 @p2 $0x1  }
0x17: {  	s4 =	simm.s32 $0x1BF5;
	[smem:$0x3FBB] =	sst s0  }
0x18: {  	s0 =	sld [smem:$0x3F9E];
	_ =	swait.ge [sflag:s4], $0x0  }
0x19: {  	s7 =	sld [smem:$0x3F9F]  }
0x1a: {  	s8 =	sadd.s32 $0xFFFFE003, lr  }
0x1b: {  	s9 =	sadd.s32 $0xFFFFFEF7, lr;
	s5 =	simm.s32 $0xFFFFFFFF;
	p2 =	slt.u32 s8, $0xFFFFF086  }
0x1c: {  	p1 =	slt.u32 s9, $0xF7A;
	s5 =	simm.s32 @!p2 $0x0  }
0x1d: {  	s5 =	simm.s32 @p1 $0x1;
	p0 =	seq.s32 s7, s2  }
0x1e: {  	s7 =	smul.u32 @!p0 $0xF7A, s2;
	p2 =	seq.s32 @!p0 s5, $0x0  }
0x1f: {  	s9 =	smul.u32 $0xF7A, s1;
	s8 =	simm.s32 @!p0 $0x1BF5;
	p2 =	por !p2, p0  }
0x20: {  	[sflag:s8] =	ssyncset.s32 @!p0 $0xFFFFF086;
	s6 =	sadd.s32 @!p0 s3, s7;
	s7 =	simm.s32 @!p0 $0x108  }
0x21: {  	s3 =	sadd.s32 s3, s9;
	s6 =	sadd.s32 @!p0 $0x88, s6;
	s7 =	simm.s32 @p2 $0x1082  }
0x22: {  	[simem:s7], [sflag:s8] =	dma.local @!p0 [hbm:s6], $0xF7A  }
0x23: {  	s9 =	sor.u32 $0xD0000000, s2;
	s6 =	simm.s32 $0x108;
	_ =	swait.ge @!p0 [sflag:s8], $0x0  }
0x24: {  	s3 =	sadd.s32 $0x88, s3;
	s6 =	simm.s32 @!p1 $0x1082;
	[sflag:s4] =	ssyncset.s32 $0xFFFFF086  }
0x25: {  	[simem:s6], [sflag:s4] =	dma.local [hbm:s3], $0xF7A  }
0x26: {  	[smem:$0x3F9F] =	sst s1;
	(tag) =	ssettag s2;
	_ =	strace s9  }
0x27: {  	s1 =	sld [smem:$0x3FAF]  }
0x28: {  	s2 =	sld [smem:$0x3FB0]  }
0x29: {  	s4 =	sld [smem:$0x3FB2]  }
0x2a: {  	p0 =	seq.s32 s5, $0x0;
	s5 =	sld [smem:$0x3FB3]  }
0x2b: {  	s6 =	sld [smem:$0x3FB4]  }
0x2c: {  	s7 =	sld [smem:$0x3FB5]  }
0x2d: {  	s3 =	simm.s32 $0x108;
	s8 =	sld [smem:$0x3FB6]  }
0x2e: {  	s3 =	simm.s32 @!p0 $0x1082;
	s9 =	sld [smem:$0x3FB7]  }
0x2f: {  	lr =	sadd.s32 s0, s3;
	s0 =	sld [smem:$0x3FAE]  }
0x30: {  	s3 =	sld [smem:$0x3FB1]  }
0x31: {  	[smem:$0x3FBA] =	sst s10  }
0x32: {  	s10 =	sld [smem:$0x3FB8];
	_ =	sdelay $0x3  }
0x33: {  	p0 =	seq.s32 s10, $0x1;
	s10 =	sld [smem:$0x3FBA];
	_ =	sdelay $0x3  }
0x34: {  	[smem:$0x3FBA] =	sst s10  }
0x35: {  	s10 =	sld [smem:$0x3FB9];
	_ =	sdelay $0x3  }
0x36: {  	p1 =	seq.s32 s10, $0x1;
	s10 =	sld [smem:$0x3FBA];
	_ =	sdelay $0x3  }
0x37: {  	[smem:$0x3FBA] =	sst s10  }
0x38: {  	s10 =	sld [smem:$0x3FBB]  }
0x39: {  	_ = 	snop;
	(pc) =	sbr.ind lr, $3  }
0x3a: {  	_ = 	snop  }
0x3b: {  	_ = 	snop  }
0x3c: {  	p2 =	seq.s32 s10, $0x1;
	s10 =	sld [smem:$0x3FBA]  }
0x3d: {  	_ =	shalt  }
0x3e: {  	_ =	shalt  }
0x3f: {  	_ =	shalt  }
0x40: {  	_ =	shalt  }
0x41: {  	_ =	shalt  }
0x42: {  	_ =	shalt  }
0x43: {  	_ =	shalt  }
0x44: {  	_ =	shalt  }
0x45: {  	_ =	shalt  }
0x46: {  	_ =	shalt  }
0x47: {  	_ =	shalt  }
0x48: {  	_ =	shalt  }
0x49: {  	_ =	shalt  }
0x4a: {  	_ =	shalt  }
0x4b: {  	_ =	shalt  }
0x4c: {  	_ =	shalt  }
0x4d: {  	_ =	shalt  }
0x4e: {  	_ =	shalt  }
0x4f: {  	_ =	shalt  }
0x50: {  	_ =	shalt  }
0x51: {  	_ =	shalt  }
0x52: {  	_ =	shalt  }
0x53: {  	_ =	shalt  }
0x54: {  	_ =	shalt  }
0x55: {  	_ =	shalt  }
0x56: {  	_ =	shalt  }
0x57: {  	_ =	shalt  }
0x58: {  	_ =	shalt  }
0x59: {  	_ =	shalt  }
0x5a: {  	_ =	shalt  }
0x5b: {  	_ =	shalt  }
0x5c: {  	_ =	shalt  }
0x5d: {  	_ =	shalt  }
0x5e: {  	_ =	shalt  }
0x5f: {  	_ =	shalt  }
0x60: {  	_ =	shalt  }
0x61: {  	_ =	shalt  }
0x62: {  	_ =	shalt  }
0x63: {  	_ =	shalt  }
0x64: {  	_ =	shalt  }
0x65: {  	_ =	shalt  }
0x66: {  	_ =	shalt  }
0x67: {  	_ =	shalt  }
0x68: {  	_ =	shalt  }
0x69: {  	_ =	shalt  }
0x6a: {  	_ =	shalt  }
0x6b: {  	_ =	shalt  }
0x6c: {  	_ =	shalt  }
0x6d: {  	_ =	shalt  }
0x6e: {  	_ =	shalt  }
0x6f: {  	_ =	shalt  }
0x70: {  	_ =	shalt  }
0x71: {  	_ =	shalt  }
0x72: {  	_ =	shalt  }
0x73: {  	_ =	shalt  }
0x74: {  	_ =	shalt  }
0x75: {  	_ =	shalt  }
0x76: {  	_ =	shalt  }
0x77: {  	_ =	shalt  }
0x78: {  	_ =	shalt  }
0x79: {  	_ =	shalt  }
0x7a: {  	_ =	shalt  }
0x7b: {  	_ =	shalt  }
0x7c: {  	_ =	shalt  }
0x7d: {  	_ =	shalt  }
0x7e: {  	_ =	shalt  }
0x7f: {  	_ =	shalt  }
0x80: {  	_ =	shalt  }
0x81: {  	_ =	shalt  }
0x82: {  	_ =	shalt  }
0x83: {  	_ =	shalt  }
0x84: {  	_ =	shalt  }
0x85: {  	_ =	shalt  }
0x86: {  	_ =	shalt  }
0x87: {  	_ =	shalt  }
.Lfunc_end0:
.L_simem_size_0:
called_computation_lowered:
.L_overlay_start_0:
0x88: {  	s2 =	sld [smem:$0x3FD9]  }
0x89: {  	s3 =	sld [smem:$0x3FFE];
	_ =	sdelay $0x1  }
0x8a: {  	s1 =	srdreg.scid  }
0x8b: {  	s0 =	sand.u32 $0x1, s1  }
0x8c: {  	s14 =	sshll.u32 s0, $0xA;
	s2 =	sadd.s32 s3, s2  }
0x8d: {  	s2 =	sadd.s32 s2, s14  }
0x8e: {  	[smem:$0x3FC6] =	sst s2  }
0x8f: {  	_ = 	snop  }
0x90: {  	s2 =	sld [smem:$0x3FD0];
	_ =	sdelay $0x2  }
0x91: {  	s15 =	simm.s32 $0xA;
	s4 =	simm.s32 $0x10  }
0x92: {  	[smem:s4], [sflag:s15] =	dma.local [hbm:s2], $0x1  }
0x93: {  	_ =	swait.eq [sflag:s15], $0x1  }
0x94: {  	[sflag:s15] =	ssyncset.done $0x0  }
0x95: {  	s16 =	sld [smem:$0x10];
	[sflag:s15] =	ssyncadd.s32 $0xFFFFFFFF  }
0x96: {  	s17 =	sld [smem:$0x11];
	(tm) =	ssettm $0x1  }
0x97: {  	s18 =	sld [smem:$0x3FFB];
	_ =	sdelay $0x3  }
0x98: {  	_ =	strace s18  }
0x99: {  	s4 =	sld [smem:$0x3FFC];
	_ =	sdelay $0x3  }
0x9a: {  	_ =	strace s4  }
0x9b: {  	s4 =	sld [smem:$0x3FFD];
	_ =	sdelay $0x3  }
0x9c: {  	_ =	strace s4  }
0x9d: {  	_ =	strace $0x8FFFFFFF  }
0x9e: {  	s19 =	sld [smem:$0x3FDB];
	_ =	sdelay $0x1  }
0x9f: {  	s5 =	simm.s32 $_scs_section_size  }
0xa0: {  	s6 =	simm.s32 $_size__tile_overlayer_lowered;
	s7 =	simm.s32 $_tile_overlayer_lowered  }
0xa1: {  	s22 =	simm.s32 $0x1BFF;
	s21 =	sshll.u32 s7, $0x1;
	s4 =	sadd.s32 s5, s19  }
0xa2: {  	s8 =	simm.s32 $0x0;
	s20 =	sshll.u32 s6, $0x1;
	s6 =	sadd.s32 s21, s4  }
0xa3: {  	[timem:s8], [sflag:s22] =	dma.local [hbm:s6], s20  }
0xa4: {  	_ =	swait.ge [sflag:s22], s20  }
0xa5: {  	s5 =	ssub.s32 $0x0, s20;
	[sflag:s22] =	ssyncset.done $0x0  }
0xa6: {  	[sflag:s22] =	ssyncadd.s32 s5;
	_ =	sdelay $0x1  }
0xa7: {  	s23 =	simm.s32 $0x1B8B  }
0xa8: {  	_ =	swait.ge [sflag:s23], $0x1  }
0xa9: {  	[sflag:s23] =	ssyncset.done $0x0  }
0xaa: {  	s25 =	simm.s32 $0x1B8E;
	s24 =	sld [smem:$0x3FFE];
	[sflag:s23] =	ssyncadd.s32 $0xFFFFFFFF  }
0xab: {  	s26 =	simm.s32 $execute0_lowered;
	[smem:$0x3FD2] =	sst s25  }
0xac: {  	s6 =	sshll.u32 s26, $0x1;
	_ =	strace $0x80000046;
	[dreg:$0x1] =	wrdreg $0xFFFFFFFF  }
0xad: {  	s28 =	simm.s32 $_size_execute0_lowered;
	s4 =	sadd.s32 s4, s6;
	[dreg:$0x0] =	wrdreg $0x0  }
0xae: {  	s6 =	sshll.u32 s28, $0x1;
	[dreg:$0x2] =	wrdreg s4  }
0xaf: {  	[dreg:$0x3] =	wrdreg s6  }
0xb0: {  	[dreg:$0x4] =	wrdreg $0xC0  }
0xb1: {  	_ =	task [dreg:s8], $0x5FFFF  }
0xb2: {  	[dreg:$0x1] =	wrdreg $0xFFFFFFFF  }
0xb3: {  	[dreg:$0x0] =	wrdreg $0x60  }
0xb4: {  	[dreg:$0x2] =	wrdreg s24  }
0xb5: {  	[dreg:$0x3] =	wrdreg s16  }
0xb6: {  	[dreg:$0x4] =	wrdreg s17  }
0xb7: {  	[dreg:$0x5] =	wrdreg $0x9  }
0xb8: {  	_ =	task.clear_ibuf [dreg:s8], $0x6FFFF;
	_ =	strace $0x90000046  }
0xb9: {  	s29 =	simm.s32 $0x9;
	_ =	strace $0x80000048  }
0xba: {  	_ =	swait.ge [sflag:s29], $0x1  }
0xbb: {  	[sflag:s29] =	ssyncadd.s32 $0xFFFFFFFF  }
0xbc: {  	_ =	strace $0x90000048  }
0xbd: {  	_ =	sfence  }
0xbe: {  	s30 =	sld [smem:$0x0];
	_ =	sdelay $0x2  }
0xbf: {  	s31 =	sshll.u32 s1, $0xD;
	s1 =	sshrl.u32 s1, $0x2  }
0xc0: {  	s3 =	sand.u32 $0x4000, s31;
	s1 =	sadd.s32 s1, s30  }
0xc1: {  	s0 =	sor.u32 s3, s0;
	s1 =	sshll.u32 s1, $0x11  }
0xc2: {  	s0 =	sor.u32 s1, s0  }
0xc3: {  	s0 =	sadd.s32 $0x8F2B, s0  }
0xc4: {  	[sflag:s0] =	ssyncadd.remote.s32 $0x1  }
0xc5: {  	_ =	sfence.sel $0xFFFF  }
0xc6: {  	[dreg:$0x0] =	wrdreg $0xFFFFFFFF;
	(pc) =	sbr.abs _section_cstart, $3  }
0xc7: {  	[dreg:$0x1] =	wrdreg $0xFFFFFFFF  }
0xc8: {  	_ =	task.clear_ibuf [dreg:s8], $0x2FFFF;
	_ =	strace $0x9FFFFFFF  }
0xc9: {  	(tm) =	ssettm $0x7FFFFFFF  }
tec
execute0_lowered:
.L_overlay_start_1:
0x0: {  	(tag) =	ssettag $0x1  }
0x1: {  	s3 =	rddreg [dreg:$0x0]  }
0x2: {  	s4 =	rddreg [dreg:$0x1]  }
0x3: {  	s5 =	rddreg [dreg:$0x2]  }
0x4: {  	s0 =	rddreg [dreg:$0x3];
	s6 =	srdreg.scid  }
0x5: {  	s2 =	simm.s32 $0x0;
	s1 =	stileid.u32;
	s9 =	simm.s32 $0x2400  }
0x6: {  	s10 =	simm.s32 $0x0;
	s6 =	sand.u32 $0x1, s6;
	[smem:$0x7FF] =	sst s2  }
0x7: {  	s7 =	sshll.u32 s1, $0xB;
	s8 =	sshll.u32 s6, $0xA;
	s6 =	ssub.s32 $0x2, s6  }
0x8: {  	_ =	strace $0x80000047;
	s7 =	sor.u32 s8, s7;
	s31 =	sshrl.u32 s6, $0x1  }
0x9: {  	s8 =	simm.s32 $0x2000;
	s3 =	sadd.s32 s7, s3;
	s7 =	sshrl.u32 s7, $0x3  }
0xa: {  	s6 =	ssub.s32 s6, s31;
	s3 =	sadd.s32 $0xC00, s3;
	s4 =	sadd.s32 s4, s7  }
0xb: {  	v0 =	vimm.s32 $0x0;
	s5 =	sadd.s32 s5, s7;
	s6 =	smax.u32 s6, $0x1;
	s7 =	simm.s32 $0x1  }
.LBB2_1:
0xc: {  	[tilespmem:s2], [sflag:$0x1] =	stream.linear.gather [hbm4b:s3+s2], $0x2000, $0x38;
	[tilespmem:$0x2800] =	vst v63  }
0xd: {  	_ =	swait.ge [sflag:s7], $0x2000  }
0xe: {  	s11 =	sand.u32 $0x70, s2;
	s12 =	sand.u32 $0x1C00, s2;
	[sflag:s7] =	ssyncset.done $0x0  }
0xf: {  	s11 =	sor.u32 s11, s12;
	[sflag:s7] =	ssyncadd.s32 $0xFFFFE000  }
0x10: {  	v1 =	vld [tilespmem:s11+$0x80]  }
0x11: {  	v2 =	vld [tilespmem:s11+$0x0];
	_ =	sdelay $0x1  }
0x12: {  	v3 =	vld [tilespmem:s11+$0x100];
	_ =	sdelay $0x1  }
0x13: {  	v4 =	vld [tilespmem:s11+$0x180]  }
0x14: {  	vm0 =	vgt.f32 v1, v2  }
0x15: {  	v5 =	vld [tilespmem:s11+$0x200];
	v6 =	vsel vm0, v1, v2  }
0x16: {  	vm1 =	vgt.f32 v3, v6  }
0x17: {  	v7 =	vld [tilespmem:s11+$0x280];
	v6 =	vsel vm1, v3, v6  }
0x18: {  	vm2 =	vgt.f32 v4, v6  }
0x19: {  	v8 =	vld [tilespmem:s11+$0x300];
	v6 =	vsel vm2, v4, v6  }
0x1a: {  	vm3 =	vgt.f32 v5, v6  }
0x1b: {  	v9 =	vld [tilespmem:s11+$0x380];
	v6 =	vsel vm3, v5, v6  }
0x1c: {  	vm5 =	vgt.f32 v7, v6  }
0x1d: {  	v6 =	vsel vm5, v7, v6  }
0x1e: {  	vm6 =	vgt.f32 v8, v6  }
0x1f: {  	v6 =	vsel vm6, v8, v6  }
0x20: {  	vm4 =	vgt.f32 v9, v6  }
0x21: {  	v6 =	vsel vm4, v9, v6  }
0x22: {  	v2 =	vsub.f32 v2, v6;
	_ =	sdelay $0x1  }
0x23: {  	v1 =	vsub.f32 v1, v6;
	v2 =	vmul.f32 $1.442695020e+00, v2;
	_ =	sdelay $0x1  }
0x24: {  	v1 =	vmul.f32 $1.442695020e+00, v1;
	(erf) = vpow2.f32 v2;
	v2 =	vsub.f32 v3, v6;
	_ =	sdelay $0x1  }
0x25: {  	(erf) = vpow2.f32 v1;
	v1 =	vmul.f32 $1.442695020e+00, v2;
	v2 =	vsub.f32 v4, v6;
	_ =	sdelay $0x1  }
0x26: {  	(erf) = vpow2.f32 v1;
	v1 =	vmul.f32 $1.442695020e+00, v2;
	v2 =	vsub.f32 v5, v6;
	_ =	sdelay $0x1  }
0x27: {  	(erf) = vpow2.f32 v1;
	v1 =	vmul.f32 $1.442695020e+00, v2;
	v2 =	vsub.f32 v7, v6;
	_ =	sdelay $0x1  }
0x28: {  	(erf) = vpow2.f32 v1;
	v1 =	vmul.f32 $1.442695020e+00, v2;
	v2 =	vsub.f32 v8, v6;
	_ =	sdelay $0x1  }
0x29: {  	v63 =	vpop (erf);
	v2 =	vmul.f32 $1.442695020e+00, v2  }
0x2a: {  	v3 =	vsub.f32 v9, v6;
	v4 =	vadd.f32 $0.0e+00, v63;
	(erf) = vpow2.f32 v1  }
0x2b: {  	v1 =	vpop (erf)  }
0x2c: {  	v3 =	vmul.f32 $1.442695020e+00, v3;
	(erf) = vpow2.f32 v2;
	v1 =	vadd.f32 v4, v1  }
0x2d: {  	v2 =	vpop (erf)  }
0x2e: {  	(erf) = vpow2.f32 v3;
	v1 =	vadd.f32 v1, v2  }
0x2f: {  	v2 =	vpop (erf)  }
0x30: {  	v1 =	vadd.f32 v1, v2  }
0x31: {  	v2 =	vpop (erf)  }
0x32: {  	v1 =	vadd.f32 v1, v2  }
0x33: {  	v2 =	vpop (erf)  }
0x34: {  	v1 =	vadd.f32 v1, v2  }
0x35: {  	v2 =	vpop (erf)  }
0x36: {  	v1 =	vadd.f32 v1, v2  }
0x37: {  	v2 =	vpop (erf)  }
0x38: {  	v1 =	vadd.f32 v1, v2;
	_ =	sdelay $0x1  }
0x39: {  	(erf) = vrcp.f32 v1;
	_ =	sdelay $0x3  }
0x3a: {  	v1 =	vsel vm0, $0x1, v0  }
0x3b: {  	v1 =	vsel vm1, $0x2, v1  }
0x3c: {  	v1 =	vsel vm2, $0x3, v1  }
0x3d: {  	v1 =	vsel vm3, $0x4, v1  }
0x3e: {  	v1 =	vsel vm5, $0x5, v1  }
0x3f: {  	s30 =	simm.s32 $0x10;
	s13 =	simm.s32 $0x80;
	v1 =	vsel vm6, $0x6, v1;
	v2 =	vpop (erf)  }
0x40: {  	s31 =	sand.u32 $0x1C00, s13;
	s11 =	sand.u32 $0x70, s30;
	v1 =	vsel vm4, $0x7, v1;
	[tilespmem:s8+$0x0] =	vst v2  }
0x41: {  	s15 =	sor.u32 s11, s31;
	[tilespmem:s9+$0x0] =	vst v1  }
0x42: {  	s14 =	simm.s32 $0x20;
	s12 =	simm.s32 $0x2000;
	s11 =	simm.s32 $0x2400;
	v1 =	vld [tilespmem:s15+$0x80]  }
.LBB2_2:
0x43: {  	p0 =	sne.s32 s14, $0x3F0;
	v2 =	vld [tilespmem:s15+$0x0];
	_ =	sdelay $0x1  }
0x44: {  	v3 =	vld [tilespmem:s15+$0x100];
	_ =	sdelay $0x1  }
0x45: {  	v4 =	vld [tilespmem:s15+$0x180]  }
0x46: {  	vm0 =	vgt.f32 v1, v2  }
0x47: {  	v5 =	vld [tilespmem:s15+$0x200];
	v6 =	vsel vm0, v1, v2;
	v7 =	vsel vm0, $0x1, v0  }
0x48: {  	vm0 =	vgt.f32 v3, v6  }
0x49: {  	v8 =	vld [tilespmem:s15+$0x280];
	v6 =	vsel vm0, v3, v6;
	v7 =	vsel vm0, $0x2, v7  }
0x4a: {  	vm0 =	vgt.f32 v4, v6  }
0x4b: {  	v9 =	vld [tilespmem:s15+$0x300];
	v6 =	vsel vm0, v4, v6;
	v7 =	vsel vm0, $0x3, v7  }
0x4c: {  	vm0 =	vgt.f32 v5, v6  }
0x4d: {  	v10 =	vld [tilespmem:s15+$0x380];
	v6 =	vsel vm0, v5, v6;
	v7 =	vsel vm0, $0x4, v7  }
0x4e: {  	vm0 =	vgt.f32 v8, v6  }
0x4f: {  	v6 =	vsel vm0, v8, v6;
	v7 =	vsel vm0, $0x5, v7  }
0x50: {  	vm0 =	vgt.f32 v9, v6  }
0x51: {  	v6 =	vsel vm0, v9, v6;
	v7 =	vsel vm0, $0x6, v7  }
0x52: {  	vm0 =	vgt.f32 v10, v6  }
0x53: {  	v6 =	vsel vm0, v10, v6;
	v7 =	vsel vm0, $0x7, v7  }
0x54: {  	v2 =	vsub.f32 v2, v6;
	_ =	sdelay $0x1  }
0x55: {  	v1 =	vsub.f32 v1, v6;
	v2 =	vmul.f32 $1.442695020e+00, v2;
	_ =	sdelay $0x1  }
0x56: {  	v3 =	vsub.f32 v3, v6;
	v1 =	vmul.f32 $1.442695020e+00, v1;
	(erf) = vpow2.f32 v2;
	_ =	sdelay $0x1  }
0x57: {  	v2 =	vmul.f32 $1.442695020e+00, v3;
	v3 =	vsub.f32 v4, v6;
	(erf) = vpow2.f32 v1;
	_ =	sdelay $0x1  }
0x58: {  	v1 =	vmul.f32 $1.442695020e+00, v3;
	v3 =	vsub.f32 v5, v6;
	(erf) = vpow2.f32 v2;
	_ =	sdelay $0x1  }
0x59: {  	v2 =	vmul.f32 $1.442695020e+00, v3;
	v3 =	vsub.f32 v8, v6;
	(erf) = vpow2.f32 v1;
	_ =	sdelay $0x1  }
0x5a: {  	v5 =	vmul.f32 $1.442695020e+00, v3;
	v3 =	vsub.f32 v9, v6;
	(erf) = vpow2.f32 v2  }
0x5b: {  	v2 =	vsub.f32 v10, v6;
	v4 =	vpop (erf)  }
0x5c: {  	v6 =	vmul.f32 $1.442695020e+00, v3;
	v4 =	vadd.f32 $0.0e+00, v4;
	(erf) = vpow2.f32 v5  }
0x5d: {  	v1 =	vpop (erf)  }
0x5e: {  	v1 =	vadd.f32 v4, v1;
	v4 =	vmul.f32 $1.442695020e+00, v2;
	(erf) = vpow2.f32 v6  }
0x5f: {  	v3 =	vpop (erf)  }
0x60: {  	v1 =	vadd.f32 v1, v3;
	(erf) = vpow2.f32 v4  }
0x61: {  	v2 =	vpop (erf)  }
0x62: {  	v1 =	vadd.f32 v1, v2  }
0x63: {  	v2 =	vpop (erf)  }
0x64: {  	v1 =	vadd.f32 v1, v2  }
0x65: {  	v2 =	vpop (erf)  }
0x66: {  	v1 =	vadd.f32 v1, v2  }
0x67: {  	v2 =	vpop (erf)  }
0x68: {  	v1 =	vadd.f32 v1, v2  }
0x69: {  	v2 =	vpop (erf)  }
0x6a: {  	v1 =	vadd.f32 v1, v2;
	_ =	sdelay $0x1  }
0x6b: {  	(erf) = vrcp.f32 v1;
	_ =	sdelay $0x7  }
.Ltmp0:
0x6c: {  	(pc) =	sbr.rel @p0 .LBB2_2-.Ltmp0, $4  }
0x6d: {  	s13 =	sadd.s32 $0x80, s13;
	s12 =	sadd.s32 $0x10, s12;
	v1 =	vpop (erf)  }
0x6e: {  	s11 =	sadd.s32 $0x10, s11;
	s16 =	sand.u32 $0x1C00, s13;
	s15 =	sand.u32 $0x70, s14;
	[tilespmem:s12+$0x0] =	vst v1  }
0x6f: {  	s15 =	sor.u32 s15, s16;
	[tilespmem:s11+$0x0] =	vst v7  }
0x70: {  	s14 =	sadd.s32 $0x10, s14;
	v1 =	vld [tilespmem:s15+$0x80]  }
0x71: {  	v2 =	vld [tilespmem:s15+$0x0];
	_ =	sdelay $0x1  }
0x72: {  	v3 =	vld [tilespmem:s15+$0x100];
	_ =	sdelay $0x1  }
0x73: {  	v4 =	vld [tilespmem:s15+$0x180]  }
0x74: {  	vm0 =	vgt.f32 v1, v2  }
0x75: {  	v5 =	vld [tilespmem:s15+$0x200];
	v6 =	vsel vm0, v1, v2  }
0x76: {  	vm1 =	vgt.f32 v3, v6  }
0x77: {  	v7 =	vld [tilespmem:s15+$0x280];
	v6 =	vsel vm1, v3, v6  }
0x78: {  	vm2 =	vgt.f32 v4, v6  }
0x79: {  	v8 =	vld [tilespmem:s15+$0x300];
	v6 =	vsel vm2, v4, v6  }
0x7a: {  	vm3 =	vgt.f32 v5, v6  }
0x7b: {  	v9 =	vld [tilespmem:s15+$0x380];
	v6 =	vsel vm3, v5, v6  }
0x7c: {  	vm4 =	vgt.f32 v7, v6  }
0x7d: {  	v6 =	vsel vm4, v7, v6  }
0x7e: {  	vm6 =	vgt.f32 v8, v6  }
0x7f: {  	v6 =	vsel vm6, v8, v6  }
0x80: {  	vm5 =	vgt.f32 v9, v6  }
0x81: {  	v6 =	vsel vm5, v9, v6  }
0x82: {  	v2 =	vsub.f32 v2, v6;
	_ =	sdelay $0x1  }
0x83: {  	v1 =	vsub.f32 v1, v6;
	v2 =	vmul.f32 $1.442695020e+00, v2;
	_ =	sdelay $0x1  }
0x84: {  	v1 =	vmul.f32 $1.442695020e+00, v1;
	(erf) = vpow2.f32 v2;
	v2 =	vsub.f32 v3, v6;
	_ =	sdelay $0x1  }
0x85: {  	(erf) = vpow2.f32 v1;
	v1 =	vmul.f32 $1.442695020e+00, v2;
	v2 =	vsub.f32 v4, v6;
	_ =	sdelay $0x1  }
0x86: {  	(erf) = vpow2.f32 v1;
	v1 =	vmul.f32 $1.442695020e+00, v2;
	v2 =	vsub.f32 v5, v6;
	_ =	sdelay $0x1  }
0x87: {  	(erf) = vpow2.f32 v1;
	v1 =	vmul.f32 $1.442695020e+00, v2;
	v2 =	vsub.f32 v7, v6;
	_ =	sdelay $0x1  }
0x88: {  	(erf) = vpow2.f32 v1;
	v1 =	vmul.f32 $1.442695020e+00, v2;
	v2 =	vsub.f32 v8, v6;
	_ =	sdelay $0x1  }
0x89: {  	v63 =	vpop (erf);
	v2 =	vmul.f32 $1.442695020e+00, v2  }
0x8a: {  	v3 =	vsub.f32 v9, v6;
	v4 =	vadd.f32 $0.0e+00, v63;
	(erf) = vpow2.f32 v1  }
0x8b: {  	v1 =	vpop (erf)  }
0x8c: {  	v3 =	vmul.f32 $1.442695020e+00, v3;
	(erf) = vpow2.f32 v2;
	v1 =	vadd.f32 v4, v1  }
0x8d: {  	v2 =	vpop (erf)  }
0x8e: {  	(erf) = vpow2.f32 v3;
	v1 =	vadd.f32 v1, v2  }
0x8f: {  	v2 =	vpop (erf)  }
0x90: {  	v1 =	vadd.f32 v1, v2  }
0x91: {  	v2 =	vpop (erf)  }
0x92: {  	v1 =	vadd.f32 v1, v2  }
0x93: {  	v2 =	vpop (erf)  }
0x94: {  	v1 =	vadd.f32 v1, v2  }
0x95: {  	v2 =	vpop (erf)  }
0x96: {  	v1 =	vadd.f32 v1, v2  }
0x97: {  	v2 =	vpop (erf)  }
0x98: {  	v1 =	vadd.f32 v1, v2;
	_ =	sdelay $0x1  }
0x99: {  	(erf) = vrcp.f32 v1;
	_ =	sdelay $0x3  }
0x9a: {  	v1 =	vsel vm0, $0x1, v0  }
0x9b: {  	v1 =	vsel vm1, $0x2, v1  }
0x9c: {  	v1 =	vsel vm2, $0x3, v1  }
0x9d: {  	v1 =	vsel vm3, $0x4, v1  }
0x9e: {  	v1 =	vsel vm4, $0x5, v1  }
0x9f: {  	s12 =	sadd.s32 $0x10, s12;
	v1 =	vsel vm6, $0x6, v1;
	v2 =	vpop (erf)  }
0xa0: {  	s11 =	sadd.s32 $0x10, s11;
	v1 =	vsel vm5, $0x7, v1;
	[tilespmem:s12+$0x0] =	vst v2  }
0xa1: {  	[tilespmem:s11+$0x0] =	vst v1  }
0xa2: {  	[hbm4b:s4+s2] =	stream.linear.scatter [tilespmem:s8], [sflag:$0x1], $0x400, $0x38;
	[tilespmem:$0x2800] =	vst v63  }
0xa3: {  	s10 =	sadd.s32 $0x1, s10;
	_ =	swait.ge [sflag:s7], $0x400  }
0xa4: {  	p0 =	sne.s32 s10, s6;
	[sflag:s7] =	ssyncset.done $0x0  }
.Ltmp1:
0xa5: {  	[sflag:s7] =	ssyncadd.s32 $0xFFFFFC00;
	(pc) =	sbr.rel @p0 .LBB2_1-.Ltmp1, $4  }
0xa6: {  	[hbm4b:s5+s2] =	stream.linear.scatter [tilespmem:s9], [sflag:$0x1], $0x400, $0x38;
	[tilespmem:$0x2800] =	vst v63  }
0xa7: {  	_ =	swait.ge [sflag:s7], $0x400  }
0xa8: {  	[sflag:s7] =	ssyncset.done $0x0  }
0xa9: {  	[sflag:s7] =	ssyncadd.s32 $0xFFFFFC00  }
0xaa: {  	_ =	sfence.sel $0x180000  }
0xab: {  	[bflag:$0x0] =	sbarrier.arrive $0xFFFF  }
0xac: {  	p0 =	sne.s32 s1, $0x0;
	_ =	strace $0x90000047  }
0xad: {  	s0 =	sadd.s32 @!p0 $0x100000, s0;
	[bflag:$0x2] =	sbarrier.arrive $0xFFFF  }
0xae: {  	[sflag:s0] =	ssyncadd.tile.s32 @!p0 $0x1;
	_ =	shalt  }
.Lfunc_end2:
_tile_overlayer_lowered:
.L_overlay_start_2:
0xaf: {  	(tag) =	ssettag $0x2  }
0xb0: {  	s0 =	rddreg [dreg:$0x0];
	s2 =	stileid.u32  }
0xb1: {  	s1 =	rddreg [dreg:$0x1];
	p0 =	sne.s32 s2, $0x0  }
0xb2: {  	s3 =	rddreg [dreg:$0x2];
	[bflag:$0x3] =	sbarrier.arrive $0xFFFF;
	s2 =	simm.s32 @!p0 $0x1C01  }
0xb3: {  	[timem:s3], [sflag:s2] =	dma.local @!p0 [hbm:s0], s1  }
0xb4: {  	s0 =	simm.s32 @!p0 $0x1  }
0xb5: {  	_ =	swait.ge @!p0 [sflag:s0], s1  }
0xb6: {  	s1 =	ssub.s32 @!p0 $0x0, s1;
	[sflag:s0] =	ssyncset.done @!p0 $0x0  }
0xb7: {  	[sflag:s0] =	ssyncadd.s32 @!p0 s1  }
0xb8: {  	[bflag:$0x3] =	sbarrier.arrive $0xFFFF  }
0xb9: {  	_ =	shalt  }

</sc_bundles>
